<compile_context>
chip_gen: v7x
topology: tpu7x:2x2x1
jax: 0.10.2.dev20260603
libtpu: 0.0.44.dev20260713+nightly
codegen_flags: <defaults>
</compile_context>

<pallas_src>
import jax
import jax.numpy as jnp
from jax import lax
from jax.experimental import pallas as pl
from jax.experimental.pallas import tpu as pltpu
from jax.experimental.pallas import tpu_sc as plsc

_ROWS = 16
_D = 2048
_L = 16
_NCHUNK = _D // _L


def _pooler_body(hs_hbm, lens_hbm, out_hbm, lens_v, row_v):
    row = lax.axis_index("s")

    pltpu.sync_copy(lens_hbm, lens_v)
    lens = lens_v[...]
    cum = jnp.int32(0)
    my_cum = jnp.int32(0)
    for i in range(_ROWS):
        cum = cum + lens[i]
        my_cum = jnp.where(row == i, cum, my_cum)
    my_idx = my_cum - 1
    my_idx = jnp.where(my_idx < 0, my_idx + hs_hbm.shape[0], my_idx)

    pltpu.sync_copy(hs_hbm.at[my_idx], row_v)

    def ss_body(k, acc):
        v = row_v[pl.ds(k * _L, _L)]
        return acc + v * v

    acc = lax.fori_loop(0, _NCHUNK, ss_body, jnp.zeros((_L,), jnp.float32))
    ss = jnp.float32(0.0)
    for i in range(_L):
        ss = ss + acc[i]

    x = jnp.maximum(ss, jnp.float32(1e-24))
    bits = lax.bitcast_convert_type(x, jnp.int32)
    y = lax.bitcast_convert_type(
        jnp.int32(0x5F3759DF) - lax.shift_right_arithmetic(bits, 1),
        jnp.float32,
    )
    half_x = jnp.float32(0.5) * x
    for _ in range(3):
        y = y * (jnp.float32(1.5) - half_x * y * y)
    scale = jnp.broadcast_to(y, (_L,))

    def scale_body(k, _):
        sl = pl.ds(k * _L, _L)
        row_v[sl] = row_v[sl] * scale
        return 0

    lax.fori_loop(0, _NCHUNK, scale_body, 0)

    pltpu.sync_copy(row_v, out_hbm.at[row])


def kernel(hidden_states, extend_seq_lens):
    mesh = plsc.VectorSubcoreMesh(
        core_axis_name="c", subcore_axis_name="s", num_cores=1
    )
    return pl.kernel(
        _pooler_body,
        out_type=jax.ShapeDtypeStruct((_ROWS, _D), jnp.float32),
        mesh=mesh,
        scratch_types=[
            pltpu.VMEM((_L,), jnp.int32),
            pltpu.VMEM((_D,), jnp.float32),
        ],
    )(hidden_states, extend_seq_lens)

# --- scband reference (transcript-rebuilt; emitter-appended) ---
"""Pipeline reference for scband-pooler-57458072486141 (READ-ONLY COPY).

The authoritative reference and input builder live on the scoring server;
editing this copy changes nothing except your own understanding.
"""

import jax, jax.numpy as jnp
import numpy as np


def setup_inputs(seed: int = 0) -> dict:
    key = jax.random.key(seed)
    k1, k2 = jax.random.split(key)
    hidden_states = jax.random.normal(k1, (32768, 2048), dtype=jnp.float32)
    # per-request prompt lengths; values in [0, 2048) so cumsum stays < 32768
    extend_seq_lens = jax.random.randint(k2, (16,), 0, 2048, dtype=jnp.int32)
    return {"hidden_states": hidden_states, "extend_seq_lens": extend_seq_lens}


def reference(hidden_states, extend_seq_lens):
    # PoolingType.LAST: gather last token of each request from flattened hidden states
    last_token_indices = jnp.cumsum(extend_seq_lens) - 1
    pooled = jnp.take(hidden_states, last_token_indices, axis=0)
    # normalize=True -> F.normalize(p=2, dim=-1) with eps=1e-12
    norm = jnp.maximum(jnp.linalg.norm(pooled, axis=-1, keepdims=True), 1e-12)
    pooled = pooled / norm
    return pooled

if __name__ == "__main__":
    import jax
    _d = setup_inputs()
    print(jax.jit(kernel)(*tuple(_d.values())))

</pallas_src>

<mosaic_0001>
#map = affine_map<(d0, d1) -> (0, 0)>
#map1 = affine_map<(d0, d1) -> (0)>
module attributes {stable_mosaic.version = 14 : i64} {
  func.func @_pooler_body(%arg0: i32, %arg1: i32, %arg2: memref<32768x2048xf32, #tpu.memory_space<hbm>>, %arg3: memref<16xi32, #tpu.memory_space<hbm>>, %arg4: memref<16x2048xf32, #tpu.memory_space<hbm>>, %arg5: memref<16xi32, #tpu.memory_space<vmem>>, %arg6: memref<2048xf32, #tpu.memory_space<vmem>>) attributes {dimension_semantics = [#tpu.dimension_semantics<core_parallel>, #tpu.dimension_semantics<subcore_parallel>], iteration_bounds = array<i64: 1, 16>, scalar_prefetch = 0 : i64, scratch_operands = 2 : i64, tpu.core_type = #tpu.core_type<sc_vector_subcore>, window_params = [{transform_indices = #map}, {transform_indices = #map1}, {transform_indices = #map}]} {
    "tpu.region"() ({
      %run_scoped3A = tpu.sem_alloc : memref<!tpu.dma_semaphore, #tpu.memory_space<semaphore_mem>>
      tpu.enqueue_dma source(%arg3 : memref<16xi32, #tpu.memory_space<hbm>>) target(%arg5 : memref<16xi32, #tpu.memory_space<vmem>>) target_semaphore(%run_scoped3A : memref<!tpu.dma_semaphore, #tpu.memory_space<semaphore_mem>>)
      tpu.wait_dma2 semaphore(%run_scoped3A : memref<!tpu.dma_semaphore, #tpu.memory_space<semaphore_mem>>) src(%arg3 : memref<16xi32, #tpu.memory_space<hbm>>) dst(%arg5 : memref<16xi32, #tpu.memory_space<vmem>>)
      tpu.yield
    }) : () -> ()
    %get3A = arith.constant 0 : index
    %get3A_0 = tpu.vector_load %arg5[%get3A] {strides = array<i32>} : memref<16xi32, #tpu.memory_space<vmem>>, vector<16xi32>,
    %get3A_1 = vector.shape_cast %get3A_0 : vector<16xi32> to vector<16xi32>
    %slice3A = vector.extract_strided_slice %get3A_1 {offsets = [0], sizes = [1], strides = [1]} : vector<16xi32> to vector<1xi32>
    %squeeze3A = vector.extract %slice3A[0] : i32 from vector<1xi32>
    %add3A = arith.constant 0 : i32
    %add3A_2 = arith.addi %add3A, %squeeze3A : i32
    %eq3A = arith.constant 0 : i32
    %eq3A_3 = arith.cmpi eq, %arg1, %eq3A : i32
    %jit3A = arith.constant 0 : i32
    %select_n3A = arith.select %eq3A_3, %add3A_2, %jit3A : i32
    %slice3A_4 = vector.extract_strided_slice %get3A_1 {offsets = [1], sizes = [1], strides = [1]} : vector<16xi32> to vector<1xi32>
    %squeeze3A_5 = vector.extract %slice3A_4[0] : i32 from vector<1xi32>
    %add3A_6 = arith.addi %add3A_2, %squeeze3A_5 : i32
    %eq3A_7 = arith.constant 1 : i32
    %eq3A_8 = arith.cmpi eq, %arg1, %eq3A_7 : i32
    %select_n3A_9 = arith.select %eq3A_8, %add3A_6, %select_n3A : i32
    %slice3A_10 = vector.extract_strided_slice %get3A_1 {offsets = [2], sizes = [1], strides = [1]} : vector<16xi32> to vector<1xi32>
    %squeeze3A_11 = vector.extract %slice3A_10[0] : i32 from vector<1xi32>
    %add3A_12 = arith.addi %add3A_6, %squeeze3A_11 : i32
    %eq3A_13 = arith.constant 2 : i32
    %eq3A_14 = arith.cmpi eq, %arg1, %eq3A_13 : i32
    %select_n3A_15 = arith.select %eq3A_14, %add3A_12, %select_n3A_9 : i32
    %slice3A_16 = vector.extract_strided_slice %get3A_1 {offsets = [3], sizes = [1], strides = [1]} : vector<16xi32> to vector<1xi32>
    %squeeze3A_17 = vector.extract %slice3A_16[0] : i32 from vector<1xi32>
    %add3A_18 = arith.addi %add3A_12, %squeeze3A_17 : i32
    %eq3A_19 = arith.constant 3 : i32
    %eq3A_20 = arith.cmpi eq, %arg1, %eq3A_19 : i32
    %select_n3A_21 = arith.select %eq3A_20, %add3A_18, %select_n3A_15 : i32
    %slice3A_22 = vector.extract_strided_slice %get3A_1 {offsets = [4], sizes = [1], strides = [1]} : vector<16xi32> to vector<1xi32>
    %squeeze3A_23 = vector.extract %slice3A_22[0] : i32 from vector<1xi32>
    %add3A_24 = arith.addi %add3A_18, %squeeze3A_23 : i32
    %eq3A_25 = arith.constant 4 : i32
    %eq3A_26 = arith.cmpi eq, %arg1, %eq3A_25 : i32
    %select_n3A_27 = arith.select %eq3A_26, %add3A_24, %select_n3A_21 : i32
    %slice3A_28 = vector.extract_strided_slice %get3A_1 {offsets = [5], sizes = [1], strides = [1]} : vector<16xi32> to vector<1xi32>
    %squeeze3A_29 = vector.extract %slice3A_28[0] : i32 from vector<1xi32>
    %add3A_30 = arith.addi %add3A_24, %squeeze3A_29 : i32
    %eq3A_31 = arith.constant 5 : i32
    %eq3A_32 = arith.cmpi eq, %arg1, %eq3A_31 : i32
    %select_n3A_33 = arith.select %eq3A_32, %add3A_30, %select_n3A_27 : i32
    %slice3A_34 = vector.extract_strided_slice %get3A_1 {offsets = [6], sizes = [1], strides = [1]} : vector<16xi32> to vector<1xi32>
    %squeeze3A_35 = vector.extract %slice3A_34[0] : i32 from vector<1xi32>
    %add3A_36 = arith.addi %add3A_30, %squeeze3A_35 : i32
    %eq3A_37 = arith.constant 6 : i32
    %eq3A_38 = arith.cmpi eq, %arg1, %eq3A_37 : i32
    %select_n3A_39 = arith.select %eq3A_38, %add3A_36, %select_n3A_33 : i32
    %slice3A_40 = vector.extract_strided_slice %get3A_1 {offsets = [7], sizes = [1], strides = [1]} : vector<16xi32> to vector<1xi32>
    %squeeze3A_41 = vector.extract %slice3A_40[0] : i32 from vector<1xi32>
    %add3A_42 = arith.addi %add3A_36, %squeeze3A_41 : i32
    %eq3A_43 = arith.constant 7 : i32
    %eq3A_44 = arith.cmpi eq, %arg1, %eq3A_43 : i32
    %select_n3A_45 = arith.select %eq3A_44, %add3A_42, %select_n3A_39 : i32
    %slice3A_46 = vector.extract_strided_slice %get3A_1 {offsets = [8], sizes = [1], strides = [1]} : vector<16xi32> to vector<1xi32>
    %squeeze3A_47 = vector.extract %slice3A_46[0] : i32 from vector<1xi32>
    %add3A_48 = arith.addi %add3A_42, %squeeze3A_47 : i32
    %eq3A_49 = arith.constant 8 : i32
    %eq3A_50 = arith.cmpi eq, %arg1, %eq3A_49 : i32
    %select_n3A_51 = arith.select %eq3A_50, %add3A_48, %select_n3A_45 : i32
    %slice3A_52 = vector.extract_strided_slice %get3A_1 {offsets = [9], sizes = [1], strides = [1]} : vector<16xi32> to vector<1xi32>
    %squeeze3A_53 = vector.extract %slice3A_52[0] : i32 from vector<1xi32>
    %add3A_54 = arith.addi %add3A_48, %squeeze3A_53 : i32
    %eq3A_55 = arith.constant 9 : i32
    %eq3A_56 = arith.cmpi eq, %arg1, %eq3A_55 : i32
    %select_n3A_57 = arith.select %eq3A_56, %add3A_54, %select_n3A_51 : i32
    %slice3A_58 = vector.extract_strided_slice %get3A_1 {offsets = [10], sizes = [1], strides = [1]} : vector<16xi32> to vector<1xi32>
    %squeeze3A_59 = vector.extract %slice3A_58[0] : i32 from vector<1xi32>
    %add3A_60 = arith.addi %add3A_54, %squeeze3A_59 : i32
    %eq3A_61 = arith.constant 10 : i32
    %eq3A_62 = arith.cmpi eq, %arg1, %eq3A_61 : i32
    %select_n3A_63 = arith.select %eq3A_62, %add3A_60, %select_n3A_57 : i32
    %slice3A_64 = vector.extract_strided_slice %get3A_1 {offsets = [11], sizes = [1], strides = [1]} : vector<16xi32> to vector<1xi32>
    %squeeze3A_65 = vector.extract %slice3A_64[0] : i32 from vector<1xi32>
    %add3A_66 = arith.addi %add3A_60, %squeeze3A_65 : i32
    %eq3A_67 = arith.constant 11 : i32
    %eq3A_68 = arith.cmpi eq, %arg1, %eq3A_67 : i32
    %select_n3A_69 = arith.select %eq3A_68, %add3A_66, %select_n3A_63 : i32
    %slice3A_70 = vector.extract_strided_slice %get3A_1 {offsets = [12], sizes = [1], strides = [1]} : vector<16xi32> to vector<1xi32>
    %squeeze3A_71 = vector.extract %slice3A_70[0] : i32 from vector<1xi32>
    %add3A_72 = arith.addi %add3A_66, %squeeze3A_71 : i32
    %eq3A_73 = arith.constant 12 : i32
    %eq3A_74 = arith.cmpi eq, %arg1, %eq3A_73 : i32
    %select_n3A_75 = arith.select %eq3A_74, %add3A_72, %select_n3A_69 : i32
    %slice3A_76 = vector.extract_strided_slice %get3A_1 {offsets = [13], sizes = [1], strides = [1]} : vector<16xi32> to vector<1xi32>
    %squeeze3A_77 = vector.extract %slice3A_76[0] : i32 from vector<1xi32>
    %add3A_78 = arith.addi %add3A_72, %squeeze3A_77 : i32
    %eq3A_79 = arith.constant 13 : i32
    %eq3A_80 = arith.cmpi eq, %arg1, %eq3A_79 : i32
    %select_n3A_81 = arith.select %eq3A_80, %add3A_78, %select_n3A_75 : i32
    %slice3A_82 = vector.extract_strided_slice %get3A_1 {offsets = [14], sizes = [1], strides = [1]} : vector<16xi32> to vector<1xi32>
    %squeeze3A_83 = vector.extract %slice3A_82[0] : i32 from vector<1xi32>
    %add3A_84 = arith.addi %add3A_78, %squeeze3A_83 : i32
    %eq3A_85 = arith.constant 14 : i32
    %eq3A_86 = arith.cmpi eq, %arg1, %eq3A_85 : i32
    %select_n3A_87 = arith.select %eq3A_86, %add3A_84, %select_n3A_81 : i32
    %slice3A_88 = vector.extract_strided_slice %get3A_1 {offsets = [15], sizes = [1], strides = [1]} : vector<16xi32> to vector<1xi32>
    %squeeze3A_89 = vector.extract %slice3A_88[0] : i32 from vector<1xi32>
    %add3A_90 = arith.addi %add3A_84, %squeeze3A_89 : i32
    %eq3A_91 = arith.constant 15 : i32
    %eq3A_92 = arith.cmpi eq, %arg1, %eq3A_91 : i32
    %select_n3A_93 = arith.select %eq3A_92, %add3A_90, %select_n3A_87 : i32
    %sub3A = arith.constant 1 : i32
    %sub3A_94 = arith.subi %select_n3A_93, %sub3A : i32
    %lt3A = arith.constant 0 : i32
    %lt3A_95 = arith.cmpi slt, %sub3A_94, %lt3A : i32
    %add3A_96 = arith.constant 32768 : i32
    %add3A_97 = arith.addi %sub3A_94, %add3A_96 : i32
    %select_n3A_98 = arith.select %lt3A_95, %add3A_97, %sub3A_94 : i32
    "tpu.region"() ({
      %run_scoped3A = tpu.sem_alloc : memref<!tpu.dma_semaphore, #tpu.memory_space<semaphore_mem>>
      %dma_start3A = arith.constant 0 : i32
      %dma_start3A_183 = tpu.memref_slice %arg2[%select_n3A_98, %dma_start3A] : memref<32768x2048xf32, #tpu.memory_space<hbm>> -> memref<1x2048xf32, #tpu.memory_space<hbm>>
      %dma_start3A_184 = tpu.memref_squeeze %dma_start3A_183 : memref<1x2048xf32, #tpu.memory_space<hbm>> -> memref<2048xf32, #tpu.memory_space<hbm>>
      %dma_start3A_185 = arith.constant 0 : i32
      %dma_start3A_186 = tpu.memref_slice %arg2[%select_n3A_98, %dma_start3A_185] : memref<32768x2048xf32, #tpu.memory_space<hbm>> -> memref<1x2048xf32, #tpu.memory_space<hbm>>
      %dma_start3A_187 = tpu.memref_squeeze %dma_start3A_186 : memref<1x2048xf32, #tpu.memory_space<hbm>> -> memref<2048xf32, #tpu.memory_space<hbm>>
      tpu.enqueue_dma source(%dma_start3A_187 : memref<2048xf32, #tpu.memory_space<hbm>>) target(%arg6 : memref<2048xf32, #tpu.memory_space<vmem>>) target_semaphore(%run_scoped3A : memref<!tpu.dma_semaphore, #tpu.memory_space<semaphore_mem>>)
      %dma_wait3A = arith.constant 0 : i32
      %dma_wait3A_188 = tpu.memref_slice %arg2[%select_n3A_98, %dma_wait3A] : memref<32768x2048xf32, #tpu.memory_space<hbm>> -> memref<1x2048xf32, #tpu.memory_space<hbm>>
      %dma_wait3A_189 = tpu.memref_squeeze %dma_wait3A_188 : memref<1x2048xf32, #tpu.memory_space<hbm>> -> memref<2048xf32, #tpu.memory_space<hbm>>
      %dma_wait3A_190 = arith.constant 0 : i32
      %dma_wait3A_191 = tpu.memref_slice %arg2[%select_n3A_98, %dma_wait3A_190] : memref<32768x2048xf32, #tpu.memory_space<hbm>> -> memref<1x2048xf32, #tpu.memory_space<hbm>>
      %dma_wait3A_192 = tpu.memref_squeeze %dma_wait3A_191 : memref<1x2048xf32, #tpu.memory_space<hbm>> -> memref<2048xf32, #tpu.memory_space<hbm>>
      tpu.wait_dma2 semaphore(%run_scoped3A : memref<!tpu.dma_semaphore, #tpu.memory_space<semaphore_mem>>) src(%dma_wait3A_192 : memref<2048xf32, #tpu.memory_space<hbm>>) dst(%arg6 : memref<2048xf32, #tpu.memory_space<vmem>>)
      tpu.yield
    }) : () -> ()
    %broadcast_in_dim3A = arith.constant 0.000000e+00 : f32
    %broadcast_in_dim3A_99 = vector.broadcast %broadcast_in_dim3A : f32 to vector<16xf32>
    %scan3A = arith.constant 0 : i32
    %scan3A_100 = arith.constant 128 : i32
    %scan3A_101 = arith.addi %scan3A, %scan3A_100 : i32
    %scan3A_102 = arith.constant 1 : i32
    %scan3A_103 = scf.for %scan3A_183 = %scan3A to %scan3A_101 step %scan3A_102 iter_args(%scan3A_184 = %broadcast_in_dim3A_99) -> (vector<16xf32>)  : i32 {
      %mul3A_185 = arith.constant 16 : i32
      %mul3A_186 = arith.muli %scan3A_183, %mul3A_185 : i32
      %get3A_187 = arith.index_cast %mul3A_186 : i32 to index
      %get3A_188 = tpu.vector_load %arg6[%get3A_187] {strides = array<i32>} : memref<2048xf32, #tpu.memory_space<vmem>>, vector<16xf32>,
      %get3A_189 = vector.shape_cast %get3A_188 : vector<16xf32> to vector<16xf32>
      %mul3A_190 = arith.mulf %get3A_189, %get3A_189 : vector<16xf32>
      %add3A_191 = arith.addf %scan3A_184, %mul3A_190 : vector<16xf32>
      scf.yield %add3A_191 : vector<16xf32>
    }
    %scan3A_104 = arith.constant 128 : i32
    %slice3A_105 = vector.extract_strided_slice %scan3A_103 {offsets = [0], sizes = [1], strides = [1]} : vector<16xf32> to vector<1xf32>
    %squeeze3A_106 = vector.extract %slice3A_105[0] : f32 from vector<1xf32>
    %add3A_107 = arith.constant 0.000000e+00 : f32
    %add3A_108 = arith.addf %add3A_107, %squeeze3A_106 : f32
    %slice3A_109 = vector.extract_strided_slice %scan3A_103 {offsets = [1], sizes = [1], strides = [1]} : vector<16xf32> to vector<1xf32>
    %squeeze3A_110 = vector.extract %slice3A_109[0] : f32 from vector<1xf32>
    %add3A_111 = arith.addf %add3A_108, %squeeze3A_110 : f32
    %slice3A_112 = vector.extract_strided_slice %scan3A_103 {offsets = [2], sizes = [1], strides = [1]} : vector<16xf32> to vector<1xf32>
    %squeeze3A_113 = vector.extract %slice3A_112[0] : f32 from vector<1xf32>
    %add3A_114 = arith.addf %add3A_111, %squeeze3A_113 : f32
    %slice3A_115 = vector.extract_strided_slice %scan3A_103 {offsets = [3], sizes = [1], strides = [1]} : vector<16xf32> to vector<1xf32>
    %squeeze3A_116 = vector.extract %slice3A_115[0] : f32 from vector<1xf32>
    %add3A_117 = arith.addf %add3A_114, %squeeze3A_116 : f32
    %slice3A_118 = vector.extract_strided_slice %scan3A_103 {offsets = [4], sizes = [1], strides = [1]} : vector<16xf32> to vector<1xf32>
    %squeeze3A_119 = vector.extract %slice3A_118[0] : f32 from vector<1xf32>
    %add3A_120 = arith.addf %add3A_117, %squeeze3A_119 : f32
    %slice3A_121 = vector.extract_strided_slice %scan3A_103 {offsets = [5], sizes = [1], strides = [1]} : vector<16xf32> to vector<1xf32>
    %squeeze3A_122 = vector.extract %slice3A_121[0] : f32 from vector<1xf32>
    %add3A_123 = arith.addf %add3A_120, %squeeze3A_122 : f32
    %slice3A_124 = vector.extract_strided_slice %scan3A_103 {offsets = [6], sizes = [1], strides = [1]} : vector<16xf32> to vector<1xf32>
    %squeeze3A_125 = vector.extract %slice3A_124[0] : f32 from vector<1xf32>
    %add3A_126 = arith.addf %add3A_123, %squeeze3A_125 : f32
    %slice3A_127 = vector.extract_strided_slice %scan3A_103 {offsets = [7], sizes = [1], strides = [1]} : vector<16xf32> to vector<1xf32>
    %squeeze3A_128 = vector.extract %slice3A_127[0] : f32 from vector<1xf32>
    %add3A_129 = arith.addf %add3A_126, %squeeze3A_128 : f32
    %slice3A_130 = vector.extract_strided_slice %scan3A_103 {offsets = [8], sizes = [1], strides = [1]} : vector<16xf32> to vector<1xf32>
    %squeeze3A_131 = vector.extract %slice3A_130[0] : f32 from vector<1xf32>
    %add3A_132 = arith.addf %add3A_129, %squeeze3A_131 : f32
    %slice3A_133 = vector.extract_strided_slice %scan3A_103 {offsets = [9], sizes = [1], strides = [1]} : vector<16xf32> to vector<1xf32>
    %squeeze3A_134 = vector.extract %slice3A_133[0] : f32 from vector<1xf32>
    %add3A_135 = arith.addf %add3A_132, %squeeze3A_134 : f32
    %slice3A_136 = vector.extract_strided_slice %scan3A_103 {offsets = [10], sizes = [1], strides = [1]} : vector<16xf32> to vector<1xf32>
    %squeeze3A_137 = vector.extract %slice3A_136[0] : f32 from vector<1xf32>
    %add3A_138 = arith.addf %add3A_135, %squeeze3A_137 : f32
    %slice3A_139 = vector.extract_strided_slice %scan3A_103 {offsets = [11], sizes = [1], strides = [1]} : vector<16xf32> to vector<1xf32>
    %squeeze3A_140 = vector.extract %slice3A_139[0] : f32 from vector<1xf32>
    %add3A_141 = arith.addf %add3A_138, %squeeze3A_140 : f32
    %slice3A_142 = vector.extract_strided_slice %scan3A_103 {offsets = [12], sizes = [1], strides = [1]} : vector<16xf32> to vector<1xf32>
    %squeeze3A_143 = vector.extract %slice3A_142[0] : f32 from vector<1xf32>
    %add3A_144 = arith.addf %add3A_141, %squeeze3A_143 : f32
    %slice3A_145 = vector.extract_strided_slice %scan3A_103 {offsets = [13], sizes = [1], strides = [1]} : vector<16xf32> to vector<1xf32>
    %squeeze3A_146 = vector.extract %slice3A_145[0] : f32 from vector<1xf32>
    %add3A_147 = arith.addf %add3A_144, %squeeze3A_146 : f32
    %slice3A_148 = vector.extract_strided_slice %scan3A_103 {offsets = [14], sizes = [1], strides = [1]} : vector<16xf32> to vector<1xf32>
    %squeeze3A_149 = vector.extract %slice3A_148[0] : f32 from vector<1xf32>
    %add3A_150 = arith.addf %add3A_147, %squeeze3A_149 : f32
    %slice3A_151 = vector.extract_strided_slice %scan3A_103 {offsets = [15], sizes = [1], strides = [1]} : vector<16xf32> to vector<1xf32>
    %squeeze3A_152 = vector.extract %slice3A_151[0] : f32 from vector<1xf32>
    %add3A_153 = arith.addf %add3A_150, %squeeze3A_152 : f32
    %max3A = arith.constant 1.000000e-24 : f32
    %max3A_154 = arith.maximumf %add3A_153, %max3A : f32
    %bitcast_convert_type3A = arith.bitcast %max3A_154 : f32 to i32
    %shift_right_arithmetic3A = arith.constant 1 : i32
    %shift_right_arithmetic3A_155 = arith.shrsi %bitcast_convert_type3A, %shift_right_arithmetic3A : i32
    %sub3A_156 = arith.constant 1597463007 : i32
    %sub3A_157 = arith.subi %sub3A_156, %shift_right_arithmetic3A_155 : i32
    %bitcast_convert_type3A_158 = arith.bitcast %sub3A_157 : i32 to f32
    %mul3A = arith.constant 5.000000e-01 : f32
    %mul3A_159 = arith.mulf %mul3A, %max3A_154 : f32
    %mul3A_160 = arith.mulf %mul3A_159, %bitcast_convert_type3A_158 : f32
    %mul3A_161 = arith.mulf %mul3A_160, %bitcast_convert_type3A_158 : f32
    %sub3A_162 = arith.constant 1.500000e+00 : f32
    %sub3A_163 = arith.subf %sub3A_162, %mul3A_161 : f32
    %mul3A_164 = arith.mulf %bitcast_convert_type3A_158, %sub3A_163 : f32
    %mul3A_165 = arith.mulf %mul3A_159, %mul3A_164 : f32
    %mul3A_166 = arith.mulf %mul3A_165, %mul3A_164 : f32
    %sub3A_167 = arith.constant 1.500000e+00 : f32
    %sub3A_168 = arith.subf %sub3A_167, %mul3A_166 : f32
    %mul3A_169 = arith.mulf %mul3A_164, %sub3A_168 : f32
    %mul3A_170 = arith.mulf %mul3A_159, %mul3A_169 : f32
    %mul3A_171 = arith.mulf %mul3A_170, %mul3A_169 : f32
    %sub3A_172 = arith.constant 1.500000e+00 : f32
    %sub3A_173 = arith.subf %sub3A_172, %mul3A_171 : f32
    %mul3A_174 = arith.mulf %mul3A_169, %sub3A_173 : f32
    %broadcast_in_dim3A_175 = vector.broadcast %mul3A_174 : f32 to vector<16xf32>
    %scan3A_176 = arith.constant 0 : i32
    %scan3A_177 = arith.constant 0 : i32
    %scan3A_178 = arith.constant 128 : i32
    %scan3A_179 = arith.addi %scan3A_177, %scan3A_178 : i32
    %scan3A_180 = arith.constant 1 : i32
    %scan3A_181 = scf.for %scan3A_183 = %scan3A_177 to %scan3A_179 step %scan3A_180 iter_args(%scan3A_184 = %scan3A_176) -> (i32)  : i32 {
      %mul3A_185 = arith.constant 16 : i32
      %mul3A_186 = arith.muli %scan3A_183, %mul3A_185 : i32
      %get3A_187 = arith.index_cast %mul3A_186 : i32 to index
      %get3A_188 = tpu.vector_load %arg6[%get3A_187] {strides = array<i32>} : memref<2048xf32, #tpu.memory_space<vmem>>, vector<16xf32>,
      %get3A_189 = vector.shape_cast %get3A_188 : vector<16xf32> to vector<16xf32>
      %mul3A_190 = arith.mulf %get3A_189, %broadcast_in_dim3A_175 : vector<16xf32>
      %swap3A = arith.index_cast %mul3A_186 : i32 to index
      %swap3A_191 = tpu.vector_load %arg6[%swap3A] {strides = array<i32>} : memref<2048xf32, #tpu.memory_space<vmem>>, vector<16xf32>,
      %swap3A_192 = vector.shape_cast %swap3A_191 : vector<16xf32> to vector<16xf32>
      %swap3A_193 = vector.shape_cast %mul3A_190 : vector<16xf32> to vector<16xf32>
      tpu.vector_store %arg6[%swap3A], %swap3A_193 {strides = array<i32>} : memref<2048xf32, #tpu.memory_space<vmem>>, vector<16xf32>,
      %scan3A_194 = arith.constant 0 : i32
      scf.yield %scan3A_194 : i32
    }
    %scan3A_182 = arith.constant 128 : i32
    "tpu.region"() ({
      %run_scoped3A = tpu.sem_alloc : memref<!tpu.dma_semaphore, #tpu.memory_space<semaphore_mem>>
      %dma_start3A = arith.constant 0 : i32
      %dma_start3A_183 = tpu.memref_slice %arg4[%arg1, %dma_start3A] : memref<16x2048xf32, #tpu.memory_space<hbm>> -> memref<1x2048xf32, #tpu.memory_space<hbm>>
      %dma_start3A_184 = tpu.memref_squeeze %dma_start3A_183 : memref<1x2048xf32, #tpu.memory_space<hbm>> -> memref<2048xf32, #tpu.memory_space<hbm>>
      %dma_start3A_185 = arith.constant 0 : i32
      %dma_start3A_186 = tpu.memref_slice %arg4[%arg1, %dma_start3A_185] : memref<16x2048xf32, #tpu.memory_space<hbm>> -> memref<1x2048xf32, #tpu.memory_space<hbm>>
      %dma_start3A_187 = tpu.memref_squeeze %dma_start3A_186 : memref<1x2048xf32, #tpu.memory_space<hbm>> -> memref<2048xf32, #tpu.memory_space<hbm>>
      tpu.enqueue_dma source(%arg6 : memref<2048xf32, #tpu.memory_space<vmem>>) target(%dma_start3A_187 : memref<2048xf32, #tpu.memory_space<hbm>>) target_semaphore(%run_scoped3A : memref<!tpu.dma_semaphore, #tpu.memory_space<semaphore_mem>>)
      %dma_wait3A = arith.constant 0 : i32
      %dma_wait3A_188 = tpu.memref_slice %arg4[%arg1, %dma_wait3A] : memref<16x2048xf32, #tpu.memory_space<hbm>> -> memref<1x2048xf32, #tpu.memory_space<hbm>>
      %dma_wait3A_189 = tpu.memref_squeeze %dma_wait3A_188 : memref<1x2048xf32, #tpu.memory_space<hbm>> -> memref<2048xf32, #tpu.memory_space<hbm>>
      %dma_wait3A_190 = arith.constant 0 : i32
      %dma_wait3A_191 = tpu.memref_slice %arg4[%arg1, %dma_wait3A_190] : memref<16x2048xf32, #tpu.memory_space<hbm>> -> memref<1x2048xf32, #tpu.memory_space<hbm>>
      %dma_wait3A_192 = tpu.memref_squeeze %dma_wait3A_191 : memref<1x2048xf32, #tpu.memory_space<hbm>> -> memref<2048xf32, #tpu.memory_space<hbm>>
      tpu.wait_dma2 semaphore(%run_scoped3A : memref<!tpu.dma_semaphore, #tpu.memory_space<semaphore_mem>>) src(%arg6 : memref<2048xf32, #tpu.memory_space<vmem>>) dst(%dma_wait3A_192 : memref<2048xf32, #tpu.memory_space<hbm>>)
      tpu.yield
    }) : () -> ()
    return
  }
}

</mosaic_0001>

<sc_bundles>
// kernel: kernel.3.cloned.1.call-start
scs
__scs_entry_jumppad:
0x0: {  	(pc) =	sbr.rel $0x88, $3  }
0x1: {  	(tag) =	ssettag $0x0;
	lr =	simm.s32 $0x1  }
0x2: {  	[smem:$0x3F9F] =	sst lr;
	_ =	strace $0xD0000000  }
0x3: {  	_ = 	snop  }
0x4: {  	_ = 	snop  }
0x5: {  	_ = 	snop  }
0x6: {  	_ = 	snop  }
0x7: {  	_ = 	snop  }
__scs_overlays_trampoline_lowered:
0x8: {  	[smem:$0x3FAE] =	sst s0  }
0x9: {  	[smem:$0x3FAF] =	sst s1  }
0xa: {  	[smem:$0x3FB0] =	sst s2  }
0xb: {  	[smem:$0x3FB1] =	sst s3  }
0xc: {  	[smem:$0x3FB2] =	sst s4  }
0xd: {  	[smem:$0x3FB3] =	sst s5  }
0xe: {  	[smem:$0x3FB4] =	sst s6  }
0xf: {  	[smem:$0x3FB5] =	sst s7  }
0x10: {  	[smem:$0x3FB6] =	sst s8  }
0x11: {  	[smem:$0x3FB7] =	sst s9;
	s0 =	simm.s32 @!p0 $0x0  }
0x12: {  	s1 =	sld [smem:$0x3F9D];
	s0 =	simm.s32 @p0 $0x1  }
0x13: {  	[smem:$0x3FB8] =	sst s0;
	s0 =	simm.s32 @!p1 $0x0  }
0x14: {  	s2 =	sld [smem:$0x3F9C];
	s0 =	simm.s32 @p1 $0x1  }
0x15: {  	[smem:$0x3FB9] =	sst s0;
	s0 =	simm.s32 @!p2 $0x0  }
0x16: {  	s3 =	sld [smem:$0x3FDB];
	s0 =	simm.s32 @p2 $0x1  }
0x17: {  	s4 =	simm.s32 $0x1BF5;
	[smem:$0x3FBB] =	sst s0  }
0x18: {  	s0 =	sld [smem:$0x3F9E];
	_ =	swait.ge [sflag:s4], $0x0  }
0x19: {  	s7 =	sld [smem:$0x3F9F]  }
0x1a: {  	s8 =	sadd.s32 $0xFFFFE003, lr  }
0x1b: {  	s9 =	sadd.s32 $0xFFFFFEF7, lr;
	s5 =	simm.s32 $0xFFFFFFFF;
	p2 =	slt.u32 s8, $0xFFFFF086  }
0x1c: {  	p1 =	slt.u32 s9, $0xF7A;
	s5 =	simm.s32 @!p2 $0x0  }
0x1d: {  	s5 =	simm.s32 @p1 $0x1;
	p0 =	seq.s32 s7, s2  }
0x1e: {  	s7 =	smul.u32 @!p0 $0xF7A, s2;
	p2 =	seq.s32 @!p0 s5, $0x0  }
0x1f: {  	s9 =	smul.u32 $0xF7A, s1;
	s8 =	simm.s32 @!p0 $0x1BF5;
	p2 =	por !p2, p0  }
0x20: {  	[sflag:s8] =	ssyncset.s32 @!p0 $0xFFFFF086;
	s6 =	sadd.s32 @!p0 s3, s7;
	s7 =	simm.s32 @!p0 $0x108  }
0x21: {  	s3 =	sadd.s32 s3, s9;
	s6 =	sadd.s32 @!p0 $0x88, s6;
	s7 =	simm.s32 @p2 $0x1082  }
0x22: {  	[simem:s7], [sflag:s8] =	dma.local @!p0 [hbm:s6], $0xF7A  }
0x23: {  	s9 =	sor.u32 $0xD0000000, s2;
	s6 =	simm.s32 $0x108;
	_ =	swait.ge @!p0 [sflag:s8], $0x0  }
0x24: {  	s3 =	sadd.s32 $0x88, s3;
	s6 =	simm.s32 @!p1 $0x1082;
	[sflag:s4] =	ssyncset.s32 $0xFFFFF086  }
0x25: {  	[simem:s6], [sflag:s4] =	dma.local [hbm:s3], $0xF7A  }
0x26: {  	[smem:$0x3F9F] =	sst s1;
	(tag) =	ssettag s2;
	_ =	strace s9  }
0x27: {  	s1 =	sld [smem:$0x3FAF]  }
0x28: {  	s2 =	sld [smem:$0x3FB0]  }
0x29: {  	s4 =	sld [smem:$0x3FB2]  }
0x2a: {  	p0 =	seq.s32 s5, $0x0;
	s5 =	sld [smem:$0x3FB3]  }
0x2b: {  	s6 =	sld [smem:$0x3FB4]  }
0x2c: {  	s7 =	sld [smem:$0x3FB5]  }
0x2d: {  	s3 =	simm.s32 $0x108;
	s8 =	sld [smem:$0x3FB6]  }
0x2e: {  	s3 =	simm.s32 @!p0 $0x1082;
	s9 =	sld [smem:$0x3FB7]  }
0x2f: {  	lr =	sadd.s32 s0, s3;
	s0 =	sld [smem:$0x3FAE]  }
0x30: {  	s3 =	sld [smem:$0x3FB1]  }
0x31: {  	[smem:$0x3FBA] =	sst s10  }
0x32: {  	s10 =	sld [smem:$0x3FB8];
	_ =	sdelay $0x3  }
0x33: {  	p0 =	seq.s32 s10, $0x1;
	s10 =	sld [smem:$0x3FBA];
	_ =	sdelay $0x3  }
0x34: {  	[smem:$0x3FBA] =	sst s10  }
0x35: {  	s10 =	sld [smem:$0x3FB9];
	_ =	sdelay $0x3  }
0x36: {  	p1 =	seq.s32 s10, $0x1;
	s10 =	sld [smem:$0x3FBA];
	_ =	sdelay $0x3  }
0x37: {  	[smem:$0x3FBA] =	sst s10  }
0x38: {  	s10 =	sld [smem:$0x3FBB]  }
0x39: {  	_ = 	snop;
	(pc) =	sbr.ind lr, $3  }
0x3a: {  	_ = 	snop  }
0x3b: {  	_ = 	snop  }
0x3c: {  	p2 =	seq.s32 s10, $0x1;
	s10 =	sld [smem:$0x3FBA]  }
0x3d: {  	_ =	shalt  }
0x3e: {  	_ =	shalt  }
0x3f: {  	_ =	shalt  }
0x40: {  	_ =	shalt  }
0x41: {  	_ =	shalt  }
0x42: {  	_ =	shalt  }
0x43: {  	_ =	shalt  }
0x44: {  	_ =	shalt  }
0x45: {  	_ =	shalt  }
0x46: {  	_ =	shalt  }
0x47: {  	_ =	shalt  }
0x48: {  	_ =	shalt  }
0x49: {  	_ =	shalt  }
0x4a: {  	_ =	shalt  }
0x4b: {  	_ =	shalt  }
0x4c: {  	_ =	shalt  }
0x4d: {  	_ =	shalt  }
0x4e: {  	_ =	shalt  }
0x4f: {  	_ =	shalt  }
0x50: {  	_ =	shalt  }
0x51: {  	_ =	shalt  }
0x52: {  	_ =	shalt  }
0x53: {  	_ =	shalt  }
0x54: {  	_ =	shalt  }
0x55: {  	_ =	shalt  }
0x56: {  	_ =	shalt  }
0x57: {  	_ =	shalt  }
0x58: {  	_ =	shalt  }
0x59: {  	_ =	shalt  }
0x5a: {  	_ =	shalt  }
0x5b: {  	_ =	shalt  }
0x5c: {  	_ =	shalt  }
0x5d: {  	_ =	shalt  }
0x5e: {  	_ =	shalt  }
0x5f: {  	_ =	shalt  }
0x60: {  	_ =	shalt  }
0x61: {  	_ =	shalt  }
0x62: {  	_ =	shalt  }
0x63: {  	_ =	shalt  }
0x64: {  	_ =	shalt  }
0x65: {  	_ =	shalt  }
0x66: {  	_ =	shalt  }
0x67: {  	_ =	shalt  }
0x68: {  	_ =	shalt  }
0x69: {  	_ =	shalt  }
0x6a: {  	_ =	shalt  }
0x6b: {  	_ =	shalt  }
0x6c: {  	_ =	shalt  }
0x6d: {  	_ =	shalt  }
0x6e: {  	_ =	shalt  }
0x6f: {  	_ =	shalt  }
0x70: {  	_ =	shalt  }
0x71: {  	_ =	shalt  }
0x72: {  	_ =	shalt  }
0x73: {  	_ =	shalt  }
0x74: {  	_ =	shalt  }
0x75: {  	_ =	shalt  }
0x76: {  	_ =	shalt  }
0x77: {  	_ =	shalt  }
0x78: {  	_ =	shalt  }
0x79: {  	_ =	shalt  }
0x7a: {  	_ =	shalt  }
0x7b: {  	_ =	shalt  }
0x7c: {  	_ =	shalt  }
0x7d: {  	_ =	shalt  }
0x7e: {  	_ =	shalt  }
0x7f: {  	_ =	shalt  }
0x80: {  	_ =	shalt  }
0x81: {  	_ =	shalt  }
0x82: {  	_ =	shalt  }
0x83: {  	_ =	shalt  }
0x84: {  	_ =	shalt  }
0x85: {  	_ =	shalt  }
0x86: {  	_ =	shalt  }
0x87: {  	_ =	shalt  }
.Lfunc_end0:
.L_simem_size_0:
called_computation_lowered:
.L_overlay_start_0:
0x88: {  	s0 =	sld [smem:$0x3FD9]  }
0x89: {  	s1 =	sld [smem:$0x3FFE];
	_ =	sdelay $0x3  }
0x8a: {  	s0 =	sadd.s32 s1, s0  }
0x8b: {  	[smem:$0x3FC6] =	sst s0  }
0x8c: {  	_ = 	snop  }
0x8d: {  	s0 =	sld [smem:$0x3FC9]  }
0x8e: {  	s17 =	sld [smem:$0x3FC8]  }
0x8f: {  	s2 =	sld [smem:$0x3FD0];
	(tm) =	ssettm $0x1  }
0x90: {  	s3 =	sld [smem:$0x3FFB];
	_ =	sdelay $0x3  }
0x91: {  	_ =	strace s3  }
0x92: {  	s3 =	sld [smem:$0x3FFC];
	_ =	sdelay $0x3  }
0x93: {  	_ =	strace s3  }
0x94: {  	s3 =	sld [smem:$0x3FFD];
	_ =	sdelay $0x3  }
0x95: {  	_ =	strace s3  }
0x96: {  	_ =	strace $0x8FFFFFFF  }
0x97: {  	s18 =	sld [smem:$0x3FDB];
	_ =	sdelay $0x1  }
0x98: {  	s4 =	simm.s32 $_scs_section_size  }
0x99: {  	s5 =	simm.s32 $_size__tile_overlayer_lowered;
	s6 =	simm.s32 $_tile_overlayer_lowered  }
0x9a: {  	s21 =	simm.s32 $0x1BFF;
	s20 =	sshll.u32 s6, $0x1;
	s3 =	sadd.s32 s4, s18  }
0x9b: {  	s7 =	simm.s32 $0x0;
	s19 =	sshll.u32 s5, $0x1;
	s5 =	sadd.s32 s20, s3  }
0x9c: {  	[timem:s7], [sflag:s21] =	dma.local [hbm:s5], s19  }
0x9d: {  	_ =	swait.ge [sflag:s21], s19  }
0x9e: {  	s4 =	ssub.s32 $0x0, s19;
	[sflag:s21] =	ssyncset.done $0x0  }
0x9f: {  	[sflag:s21] =	ssyncadd.s32 s4;
	_ =	sdelay $0x1  }
0xa0: {  	s22 =	simm.s32 $0x1B8B  }
0xa1: {  	_ =	swait.ge [sflag:s22], $0x1  }
0xa2: {  	[sflag:s22] =	ssyncset.done $0x0  }
0xa3: {  	s23 =	simm.s32 $0x1B8E;
	[sflag:s22] =	ssyncadd.s32 $0xFFFFFFFF  }
0xa4: {  	s24 =	simm.s32 $execute0_lowered;
	[smem:$0x3FD2] =	sst s23  }
0xa5: {  	s4 =	sshll.u32 s24, $0x1;
	_ =	strace $0x80000046;
	[dreg:$0x1] =	wrdreg $0xFFFFFFFF  }
0xa6: {  	s25 =	simm.s32 $_size_execute0_lowered;
	s3 =	sadd.s32 s3, s4;
	[dreg:$0x0] =	wrdreg $0x0  }
0xa7: {  	s4 =	sshll.u32 s25, $0x1;
	[dreg:$0x2] =	wrdreg s3  }
0xa8: {  	[dreg:$0x3] =	wrdreg s4  }
0xa9: {  	[dreg:$0x4] =	wrdreg $0xC0  }
0xaa: {  	_ =	task [dreg:s7], $0x5FFFF  }
0xab: {  	[dreg:$0x1] =	wrdreg $0xFFFFFFFF  }
0xac: {  	[dreg:$0x0] =	wrdreg $0x60  }
0xad: {  	[dreg:$0x2] =	wrdreg s0  }
0xae: {  	[dreg:$0x3] =	wrdreg s17  }
0xaf: {  	[dreg:$0x4] =	wrdreg s2  }
0xb0: {  	[dreg:$0x5] =	wrdreg $0x9  }
0xb1: {  	_ =	task.clear_ibuf [dreg:s7], $0x6FFFF;
	_ =	strace $0x90000046  }
0xb2: {  	s26 =	simm.s32 $0x9;
	_ =	strace $0x80000048  }
0xb3: {  	_ =	swait.ge [sflag:s26], $0x1  }
0xb4: {  	[sflag:s26] =	ssyncadd.s32 $0xFFFFFFFF  }
0xb5: {  	_ =	strace $0x90000048  }
0xb6: {  	_ =	sfence  }
0xb7: {  	s28 =	sld [smem:$0x0];
	_ =	sdelay $0x1  }
0xb8: {  	s29 =	srdreg.scid  }
0xb9: {  	s30 =	sshll.u32 s29, $0xD;
	s31 =	sshrl.u32 s29, $0x2  }
0xba: {  	s1 =	sand.u32 $0x1, s29;
	s2 =	sand.u32 $0x4000, s30;
	s0 =	sadd.s32 s31, s28  }
0xbb: {  	s1 =	sor.u32 s2, s1;
	s0 =	sshll.u32 s0, $0x11  }
0xbc: {  	s0 =	sor.u32 s0, s1  }
0xbd: {  	s0 =	sadd.s32 $0x8F2B, s0  }
0xbe: {  	[sflag:s0] =	ssyncadd.remote.s32 $0x1  }
0xbf: {  	_ =	sfence.sel $0xFFFF  }
0xc0: {  	[dreg:$0x0] =	wrdreg $0xFFFFFFFF;
	(pc) =	sbr.abs _section_cstart, $3  }
0xc1: {  	[dreg:$0x1] =	wrdreg $0xFFFFFFFF  }
0xc2: {  	_ =	task.clear_ibuf [dreg:s7], $0x2FFFF;
	_ =	strace $0x9FFFFFFF  }
0xc3: {  	(tm) =	ssettm $0x7FFFFFFF  }
tec
execute0_lowered:
.L_overlay_start_1:
0x0: {  	(tag) =	ssettag $0x1  }
0x1: {  	s3 =	rddreg [dreg:$0x0]  }
0x2: {  	s2 =	rddreg [dreg:$0x1]  }
0x3: {  	s1 =	rddreg [dreg:$0x2];
	s4 =	simm.s32 $0x0  }
0x4: {  	[smem:$0x7FF] =	sst s4  }
0x5: {  	s0 =	rddreg [dreg:$0x3];
	s25 =	simm.s32 $0x1;
	_ =	strace $0x80000047  }
0x6: {  	[tilespmem:s4], [sflag:$0x1] =	stream.linear.gather [hbm4b:s2+s4], $0x80, $0x38;
	[tilespmem:$0x880] =	vst v63  }
0x7: {  	_ =	swait.ge [sflag:s25], $0x80  }
0x8: {  	[sflag:s25] =	ssyncset.done $0x0  }
0x9: {  	[sflag:s25] =	ssyncadd.s32 $0xFFFFFF80  }
0xa: {  	v0 =	vld [tilespmem:$0x0];
	_ =	sdelay $0x4  }
0xb: {  	(v2sf) =	vpush v0, $0x0  }
0xc: {  	(v2sf) =	vpush v0, $0x1  }
0xd: {  	(v2sf) =	vpush v0, $0x2  }
0xe: {  	(v2sf) =	vpush v0, $0x3;
	_ =	sdelay $0x1  }
0xf: {  	(v2sf) =	vpush v0, $0x4  }
0x10: {  	(v2sf) =	vpush v0, $0x5;
	_ =	sdelay $0x1  }
0x11: {  	(v2sf) =	vpush v0, $0x6  }
0x12: {  	(v2sf) =	vpush v0, $0x7;
	_ =	sdelay $0x1  }
0x13: {  	(v2sf) =	vpush v0, $0x8  }
0x14: {  	(v2sf) =	vpush v0, $0x9;
	_ =	sdelay $0x1  }
0x15: {  	(v2sf) =	vpush v0, $0xA  }
0x16: {  	(v2sf) =	vpush v0, $0xB;
	s5 =	spop (v2sf)  }
0x17: {  	s2 =	stileid.u32;
	s6 =	spop (v2sf)  }
0x18: {  	p0 =	seq.s32 s2, $0x0;
	(v2sf) =	vpush v0, $0xC;
	s7 =	spop (v2sf);
	s6 =	sadd.s32 s6, s5  }
0x19: {  	(v2sf) =	vpush v0, $0xD;
	s5 =	simm.s32 @!p0 $0x0;
	p0 =	seq.s32 s2, $0x1;
	s8 =	spop (v2sf)  }
0x1a: {  	s5 =	smov.u32 @p0 s6;
	p0 =	seq.s32 s2, $0x2;
	s6 =	sadd.s32 s7, s6  }
0x1b: {  	s9 =	spop (v2sf);
	s5 =	smov.u32 @p0 s6  }
0x1c: {  	(v2sf) =	vpush v0, $0xE;
	p0 =	seq.s32 s2, $0x3;
	s6 =	sadd.s32 s8, s6;
	s10 =	spop (v2sf)  }
0x1d: {  	(v2sf) =	vpush v0, $0xF;
	s5 =	smov.u32 @p0 s6;
	p0 =	seq.s32 s2, $0x4;
	s6 =	sadd.s32 s9, s6  }
0x1e: {  	s11 =	spop (v2sf);
	s5 =	smov.u32 @p0 s6  }
0x1f: {  	p0 =	seq.s32 s2, $0x5;
	s6 =	sadd.s32 s10, s6;
	s12 =	spop (v2sf)  }
0x20: {  	s5 =	smov.u32 @p0 s6;
	p0 =	seq.s32 s2, $0x6;
	s6 =	sadd.s32 s11, s6  }
0x21: {  	s13 =	spop (v2sf);
	s5 =	smov.u32 @p0 s6  }
0x22: {  	p0 =	seq.s32 s2, $0x7;
	s6 =	sadd.s32 s12, s6;
	s14 =	spop (v2sf)  }
0x23: {  	s5 =	smov.u32 @p0 s6;
	p0 =	seq.s32 s2, $0x8;
	s6 =	sadd.s32 s13, s6  }
0x24: {  	s15 =	spop (v2sf);
	s5 =	smov.u32 @p0 s6  }
0x25: {  	p0 =	seq.s32 s2, $0x9;
	s6 =	sadd.s32 s14, s6;
	s16 =	spop (v2sf)  }
0x26: {  	s5 =	smov.u32 @p0 s6;
	p0 =	seq.s32 s2, $0xA;
	s6 =	sadd.s32 s15, s6  }
0x27: {  	s17 =	spop (v2sf);
	s5 =	smov.u32 @p0 s6  }
0x28: {  	p0 =	seq.s32 s2, $0xB;
	s6 =	sadd.s32 s16, s6;
	s18 =	spop (v2sf)  }
0x29: {  	s5 =	smov.u32 @p0 s6;
	p0 =	seq.s32 s2, $0xC;
	s6 =	sadd.s32 s17, s6  }
0x2a: {  	s5 =	smov.u32 @p0 s6;
	p0 =	seq.s32 s2, $0xD;
	s6 =	sadd.s32 s18, s6  }
0x2b: {  	s26 =	spop (v2sf);
	s5 =	smov.u32 @p0 s6  }
0x2c: {  	p0 =	seq.s32 s2, $0xE;
	s6 =	sadd.s32 s26, s6;
	s28 =	spop (v2sf)  }
0x2d: {  	s5 =	smov.u32 @p0 s6;
	p0 =	seq.s32 s2, $0xF;
	s6 =	sadd.s32 s28, s6  }
0x2e: {  	s5 =	smov.u32 @p0 s6  }
0x2f: {  	s6 =	sadd.s32 $0xFFFFFFFF, s5  }
0x30: {  	s5 =	sadd.s32 $0x7FFF, s5;
	p0 =	slt.s32 s6, $0x0  }
0x31: {  	s6 =	smov.u32 @p0 s5  }
0x32: {  	s5 =	sshll.u32 s6, $0xB;
	s6 =	sshll.u32 s6, $0x7  }
0x33: {  	s5 =	sand.u32 $0xFFFFC000, s5;
	s6 =	sand.u32 $0x380, s6  }
0x34: {  	s5 =	sor.u32 s6, s5  }
0x35: {  	s5 =	sshrl.u32 s5, $0x3  }
0x36: {  	s29 =	simm.s32 $0x400;
	s30 =	simm.s32 $0x80;
	s3 =	sadd.s32 s3, s5  }
0x37: {  	[tilespmem:s30], [sflag:$0x1] =	stream.strided.gather [hbm4b:s3+s30], $0x800, s29, s30, $0x38;
	[tilespmem:$0x880] =	vst v63  }
0x38: {  	_ =	swait.ge [sflag:s25], $0x800  }
0x39: {  	[sflag:s25] =	ssyncset.done $0x0  }
0x3a: {  	s31 =	simm.s32 $0x0;
	[sflag:s25] =	ssyncadd.s32 $0xFFFFF800  }
0x3b: {  	v1 =	vld [tilespmem:s31+$0x80]  }
0x3c: {  	v0 =	vimm.f32 $0.0e+00;
	s3 =	simm.s32 $0x40  }
.LBB2_1:
0x3d: {  	p0 =	sne.s32 s3, $0x1FC0  }
.Ltmp0:
0x3e: {  	_ = 	snop;
	(pc) =	sbr.rel @p0 .LBB2_1-.Ltmp0, $4  }
0x3f: {  	_ = 	snop  }
0x40: {  	s4 =	sshra.s32 s3, $0x2;
	s3 =	sadd.s32 $0x40, s3;
	v2 =	vmul.f32 v1, v1  }
0x41: {  	v1 =	vld [tilespmem:s4+$0x80]  }
0x42: {  	v0 =	vadd.f32 v2, v0  }
0x43: {  	_ =	sdelay $0x2  }
0x44: {  	v1 =	vmul.f32 v1, v1;
	_ =	sdelay $0x1  }
0x45: {  	v0 =	vadd.f32 v1, v0;
	_ =	sdelay $0x1  }
0x46: {  	(v2sf) =	vpush v0, $0x0  }
0x47: {  	(v2sf) =	vpush v0, $0x1;
	_ =	sdelay $0x1  }
0x48: {  	(v2sf) =	vpush v0, $0x2;
	_ =	sdelay $0x1  }
0x49: {  	(v2sf) =	vpush v0, $0x3;
	_ =	sdelay $0x1  }
0x4a: {  	(v2sf) =	vpush v0, $0x4;
	_ =	sdelay $0x1  }
0x4b: {  	(v2sf) =	vpush v0, $0x5;
	_ =	sdelay $0x1  }
0x4c: {  	(v2sf) =	vpush v0, $0x6;
	_ =	sdelay $0x1  }
0x4d: {  	(v2sf) =	vpush v0, $0x7;
	_ =	sdelay $0x1  }
0x4e: {  	s3 =	spop (v2sf);
	(v2sf) =	vpush v0, $0x8  }
0x4f: {  	s4 =	spop (v2sf)  }
0x50: {  	(v2sf) =	vpush v0, $0x9;
	s3 =	sadd.f32 s4, s3  }
0x51: {  	s16 =	spop (v2sf)  }
0x52: {  	(v2sf) =	vpush v0, $0xA;
	s3 =	sadd.f32 s3, s16  }
0x53: {  	s17 =	spop (v2sf)  }
0x54: {  	(v2sf) =	vpush v0, $0xB;
	s3 =	sadd.f32 s3, s17  }
0x55: {  	s18 =	spop (v2sf)  }
0x56: {  	(v2sf) =	vpush v0, $0xC;
	s3 =	sadd.f32 s3, s18  }
0x57: {  	s19 =	spop (v2sf)  }
0x58: {  	(v2sf) =	vpush v0, $0xD;
	s3 =	sadd.f32 s3, s19  }
0x59: {  	s20 =	spop (v2sf)  }
0x5a: {  	(v2sf) =	vpush v0, $0xE;
	s3 =	sadd.f32 s3, s20  }
0x5b: {  	s21 =	spop (v2sf)  }
0x5c: {  	(v2sf) =	vpush v0, $0xF;
	s3 =	sadd.f32 s3, s21  }
0x5d: {  	s22 =	spop (v2sf)  }
0x5e: {  	s3 =	sadd.f32 s3, s22  }
0x5f: {  	s23 =	spop (v2sf)  }
0x60: {  	s3 =	sadd.f32 s3, s23  }
0x61: {  	s24 =	spop (v2sf)  }
0x62: {  	s3 =	sadd.f32 s3, s24  }
0x63: {  	s25 =	spop (v2sf)  }
0x64: {  	s3 =	sadd.f32 s3, s25  }
0x65: {  	s26 =	spop (v2sf)  }
0x66: {  	s3 =	sadd.f32 s3, s26  }
0x67: {  	s28 =	spop (v2sf)  }
0x68: {  	s3 =	sadd.f32 s3, s28  }
0x69: {  	s29 =	spop (v2sf)  }
0x6a: {  	s3 =	sadd.f32 s3, s29  }
0x6b: {  	s30 =	spop (v2sf)  }
0x6c: {  	s3 =	sadd.f32 s3, s30;
	_ =	sdelay $0x1  }
0x6d: {  	s3 =	smax.f32 s3, $1.000000020e-24  }
0x6e: {  	s31 =	sshra.s32 s3, $0x1;
	s3 =	smul.f32 $5.000000000e-01, s3  }
0x6f: {  	s4 =	ssub.s32 $0x5F3759DF, s31  }
0x70: {  	s5 =	smul.f32 s4, s3;
	_ =	sdelay $0x1  }
0x71: {  	s5 =	smul.f32 s4, s5;
	_ =	sdelay $0x1  }
0x72: {  	s5 =	ssub.f32 $1.500000000e+00, s5;
	_ =	sdelay $0x1  }
0x73: {  	s4 =	smul.f32 s4, s5;
	_ =	sdelay $0x1  }
0x74: {  	s5 =	smul.f32 s4, s3;
	_ =	sdelay $0x1  }
0x75: {  	s5 =	smul.f32 s5, s4;
	_ =	sdelay $0x1  }
0x76: {  	s5 =	ssub.f32 $1.500000000e+00, s5;
	_ =	sdelay $0x1  }
0x77: {  	s4 =	smul.f32 s5, s4;
	_ =	sdelay $0x1  }
0x78: {  	s3 =	smul.f32 s4, s3;
	_ =	sdelay $0x1  }
0x79: {  	s3 =	smul.f32 s3, s4;
	_ =	sdelay $0x1  }
0x7a: {  	s3 =	ssub.f32 $1.500000000e+00, s3;
	_ =	sdelay $0x1  }
0x7b: {  	s3 =	smul.f32 s3, s4;
	_ =	sdelay $0x1  }
0x7c: {  	s4 =	simm.s32 $0x40;
	v0 =	vmov s3;
	s3 =	simm.s32 $0x0  }
.LBB2_3:
0x7d: {  	p0 =	sne.s32 s4, $0x1FC0;
	v1 =	vld [tilespmem:s3+$0x80];
	_ =	sdelay $0x2  }
.Ltmp1:
0x7e: {  	(pc) =	sbr.rel @p0 .LBB2_3-.Ltmp1, $3  }
0x7f: {  	_ = 	snop  }
0x80: {  	v1 =	vmul.f32 v1, v0;
	_ =	sdelay $0x1  }
0x81: {  	[tilespmem:s3+$0x80] =	vst v1;
	s3 =	sshra.s32 s4, $0x2;
	s4 =	sadd.s32 $0x40, s4  }
0x82: {  	v1 =	vld [tilespmem:s3+$0x80];
	_ =	sdelay $0x3  }
0x83: {  	s4 =	sshll.u32 s2, $0x4  }
0x84: {  	s5 =	sshll.u32 s2, $0x8;
	s4 =	sand.u32 $0x70, s4;
	v0 =	vmul.f32 v1, v0  }
0x85: {  	s29 =	simm.s32 $0x400;
	s28 =	sand.u32 $0x800, s5;
	s1 =	sadd.s32 s1, s4  }
0x86: {  	s30 =	simm.s32 $0x80;
	s31 =	simm.s32 $0x1;
	s1 =	sadd.s32 s28, s1;
	[tilespmem:s3+$0x80] =	vst v0  }
0x87: {  	[hbm4b:s1+s30] =	stream.strided.scatter [tilespmem:s30], [sflag:$0x1], $0x800, s29, s30, $0x38;
	[tilespmem:$0x880] =	vst v63  }
0x88: {  	_ =	swait.ge [sflag:s31], $0x800  }
0x89: {  	[sflag:s31] =	ssyncset.done $0x0  }
0x8a: {  	[sflag:s31] =	ssyncadd.s32 $0xFFFFF800  }
0x8b: {  	_ =	sfence.sel $0x180000  }
0x8c: {  	[bflag:$0x0] =	sbarrier.arrive $0xFFFF  }
0x8d: {  	p0 =	sne.s32 s2, $0x0;
	_ =	strace $0x90000047  }
0x8e: {  	s0 =	sadd.s32 @!p0 $0x100000, s0;
	[bflag:$0x2] =	sbarrier.arrive $0xFFFF  }
0x8f: {  	[sflag:s0] =	ssyncadd.tile.s32 @!p0 $0x1;
	_ =	shalt  }
.Lfunc_end2:
_tile_overlayer_lowered:
.L_overlay_start_2:
0x90: {  	(tag) =	ssettag $0x2  }
0x91: {  	s0 =	rddreg [dreg:$0x0];
	s2 =	stileid.u32  }
0x92: {  	s1 =	rddreg [dreg:$0x1];
	p0 =	sne.s32 s2, $0x0  }
0x93: {  	s3 =	rddreg [dreg:$0x2];
	[bflag:$0x3] =	sbarrier.arrive $0xFFFF;
	s2 =	simm.s32 @!p0 $0x1C01  }
0x94: {  	[timem:s3], [sflag:s2] =	dma.local @!p0 [hbm:s0], s1  }
0x95: {  	s0 =	simm.s32 @!p0 $0x1  }
0x96: {  	_ =	swait.ge @!p0 [sflag:s0], s1  }
0x97: {  	s1 =	ssub.s32 @!p0 $0x0, s1;
	[sflag:s0] =	ssyncset.done @!p0 $0x0  }
0x98: {  	[sflag:s0] =	ssyncadd.s32 @!p0 s1  }
0x99: {  	[bflag:$0x3] =	sbarrier.arrive $0xFFFF  }
0x9a: {  	_ =	shalt  }

</sc_bundles>
